<compile_context>
chip_gen: v7x
topology: tpu7x:2x2x1
jax: 0.10.2.dev20260603
libtpu: 0.0.44.dev20260713+nightly
codegen_flags: <defaults>
</compile_context>

<pallas_src>
import functools

import jax
import jax.numpy as jnp
from jax import lax
from jax.experimental import pallas as pl
from jax.experimental.pallas import tpu as pltpu
from jax.experimental.pallas import tpu_sc as plsc

VOCAB_MASK_ID = 1
NEG_VAL = -1000000.0
EPS_T = 0.0001


def _gather_body(per_worker, vocab128,
                 logits_hbm, ids_hbm, out_hbm, ids_v, ridx_v, rows_v, sem):
    n_cores = 2
    wid = lax.axis_index("s") * n_cores + lax.axis_index("c")
    base = wid * per_worker
    pltpu.sync_copy(ids_hbm.at[pl.ds(base, per_worker)], ids_v)

    def idx_body(k, _):
        ids16 = ids_v[pl.ds(k * 16, 16)]
        rows16 = lax.iota(jnp.int32, 16) + (base + k * 16)
        ridx_v[pl.ds(k * 16, 16)] = (
            rows16 * vocab128 + lax.shift_right_logical(ids16, 7))
        return 0

    lax.fori_loop(0, per_worker // 16, idx_body, 0)
    pltpu.async_copy(logits_hbm.at[ridx_v], rows_v, sem).wait()
    pltpu.sync_copy(rows_v, out_hbm.at[pl.ds(base, per_worker)])


def _sc_gather(logits2, ids1):
    rows, vocab = logits2.shape
    n_workers = 32
    per_worker = rows // n_workers
    table = logits2.reshape(rows * vocab // 128, 128)
    mesh = plsc.VectorSubcoreMesh(core_axis_name="c", subcore_axis_name="s")
    body = functools.partial(_gather_body, per_worker, vocab // 128)
    return pl.kernel(
        body,
        out_type=jax.ShapeDtypeStruct((rows, 128), jnp.float32),
        mesh=mesh,
        scratch_types=[
            pltpu.VMEM((per_worker,), jnp.int32),
            pltpu.VMEM((per_worker,), jnp.int32),
            pltpu.VMEM((per_worker, 128), jnp.float32),
            pltpu.SemaphoreType.DMA,
        ],
    )(table, ids1)


def _mdlm_body(nr_blocks, nv_blocks, r_blk, v_blk, s_len,
               logits_ref, ids_ref, z_ref, attn_ref, xg_in_ref, t_ref,
               elbo_ref, loss_ref,
               m_ref, s_ref, acc_ref):
    i = pl.program_id(0)
    j = pl.program_id(1)

    x = logits_ref[...]
    col0 = j * v_blk
    local_cols = lax.broadcasted_iota(jnp.int32, (1, v_blk), 1)
    xm = jnp.where(local_cols == (VOCAB_MASK_ID - col0), NEG_VAL, x)

    bm = jnp.max(xm, axis=1, keepdims=True)
    bs = jnp.sum(jnp.exp(xm - bm), axis=1, keepdims=True)

    @pl.when(j == 0)
    def _init():
        m_ref[...] = bm
        s_ref[...] = bs

    @pl.when(j > 0)
    def _merge():
        m_old = m_ref[...]
        s_old = s_ref[...]
        m_new = jnp.maximum(m_old, bm)
        s_ref[...] = s_old * jnp.exp(m_old - m_new) + bs * jnp.exp(bm - m_new)
        m_ref[...] = m_new

    @pl.when(jnp.logical_and(i == 0, j == 0))
    def _init_acc():
        acc_ref[0] = 0.0
        acc_ref[1] = 0.0

    @pl.when(j == nv_blocks - 1)
    def _epilogue():
        lse = m_ref[...] + jnp.log(s_ref[...])
        ids = ids_ref[...]
        lane = jnp.bitwise_and(ids, 127)
        lanes = lax.broadcasted_iota(jnp.int32, (1, 128), 1)
        sliver = xg_in_ref[...]
        xg_val = jnp.sum(jnp.where(lanes == lane, sliver, 0.0),
                         axis=1, keepdims=True)
        xg = jnp.where(ids == VOCAB_MASK_ID, NEG_VAL, xg_val)
        maskf = (z_ref[...] == VOCAB_MASK_ID).astype(jnp.float32)
        b = (i * r_blk) // s_len
        w = 1.0 / jnp.clip(t_ref[b], EPS_T, 1.0)
        elbo = maskf * w * (lse - xg)
        elbo_ref[...] = elbo
        attn = attn_ref[...]
        acc_ref[0] = acc_ref[0] + jnp.sum(elbo * attn)
        acc_ref[1] = acc_ref[1] + jnp.sum(attn)

        @pl.when(i == nr_blocks - 1)
        def _final():
            loss_ref[0, 0] = acc_ref[0] / acc_ref[1]


def kernel(logits, input_ids, attention_mask, z_t, t):
    B, S, V = logits.shape
    rows = B * S

    v_blk = 6400 if V % 6400 == 0 else V
    r_blk = 256 if (rows % 256 == 0 and S % 256 == 0) else S
    nr_blocks = rows // r_blk
    nv_blocks = V // v_blk

    logits2 = logits.reshape(rows, V)
    ids1 = input_ids.astype(jnp.int32).reshape(rows)
    ids2 = ids1.reshape(rows, 1)
    z2 = z_t.astype(jnp.int32).reshape(rows, 1)
    attn2 = attention_mask.astype(jnp.float32).reshape(rows, 1)
    t1 = t.astype(jnp.float32)

    xg = _sc_gather(logits2, ids1)

    body = functools.partial(_mdlm_body, nr_blocks, nv_blocks, r_blk, v_blk, S)

    elbo_flat, loss11 = pl.pallas_call(
        body,
        grid=(nr_blocks, nv_blocks),
        in_specs=[
            pl.BlockSpec((r_blk, v_blk), lambda i, j: (i, j)),
            pl.BlockSpec((r_blk, 1), lambda i, j: (i, 0)),
            pl.BlockSpec((r_blk, 1), lambda i, j: (i, 0)),
            pl.BlockSpec((r_blk, 1), lambda i, j: (i, 0)),
            pl.BlockSpec((r_blk, 128), lambda i, j: (i, 0)),
            pl.BlockSpec(memory_space=pltpu.SMEM),
        ],
        out_specs=[
            pl.BlockSpec((r_blk, 1), lambda i, j: (i, 0)),
            pl.BlockSpec(memory_space=pltpu.SMEM),
        ],
        out_shape=[
            jax.ShapeDtypeStruct((rows, 1), jnp.float32),
            jax.ShapeDtypeStruct((1, 1), jnp.float32),
        ],
        scratch_shapes=[
            pltpu.VMEM((r_blk, 1), jnp.float32),
            pltpu.VMEM((r_blk, 1), jnp.float32),
            pltpu.SMEM((2,), jnp.float32),
        ],
        compiler_params=pltpu.CompilerParams(
            dimension_semantics=("arbitrary", "arbitrary"),
        ),
    )(logits2, ids2, z2, attn2, xg, t1)

    loss = loss11[0, 0]
    elbo = elbo_flat[:, 0].reshape(B, S)
    return (loss, elbo, loss, loss)

# --- scband reference (transcript-rebuilt; emitter-appended) ---
"""Pipeline reference for scband-mdlmloss-41489384079562 (READ-ONLY COPY).

The authoritative reference and input builder live on the scoring server;
editing this copy changes nothing except your own understanding.
"""

import jax, jax.numpy as jnp
import numpy as np

VOCAB = 32000
MASK_ID = 1  # tokenizer.mask_token_id
NEG_INFTY = -1000000.0
EPS = 0.0001


def setup_inputs(seed: int = 0) -> dict:
    key = jax.random.key(seed)
    k1, k2, k3, k4 = jax.random.split(key, 4)
    B, S = 2, 2048
    logits = jax.random.normal(k1, (B, S, VOCAB), dtype=jnp.float32)
    input_ids = jax.random.randint(k2, (B, S), 0, VOCAB, dtype=jnp.int64)
    attention_mask = jnp.ones((B, S), dtype=jnp.float32)
    z_t = jax.random.randint(k3, (B, S), 0, 2, dtype=jnp.int64)  # ~50% positions == MASK_ID
    t = jax.random.uniform(k4, (B,), dtype=jnp.float32)
    return {"logits": logits, "input_ids": input_ids, "attention_mask": attention_mask, "z_t": z_t, "t": t}


def get_sigmas(t, eps=EPS):
    tc = jnp.clip(t, eps, 1.0)
    dsigma = (1.0 - eps) / (1.0 - (1.0 - eps) * tc)
    sigma = -jnp.log1p(-(1.0 - eps) * tc)
    return dsigma, sigma


def _mdlm_core(logits, input_ids, attention_mask, z_t, t):
    dsigma, sigma_t = get_sigmas(t)
    # logits[..., mask_id] = neg_infty
    logits = logits.at[..., MASK_ID].set(NEG_INFTY)
    # log-softmax normalization
    logits = logits - jax.scipy.special.logsumexp(logits, axis=-1, keepdims=True)
    mask_ids = (z_t == MASK_ID)
    # logits[~mask_ids] = neg_infty  (entire vocab row for unmasked positions)
    logits = jnp.where(mask_ids[..., None], logits, NEG_INFTY)
    # scatter(-1, z_t.unsqueeze(-1), 0): set value at z_t index to 0
    onehot = (jnp.arange(VOCAB, dtype=z_t.dtype)[None, None, :] == z_t[..., None])
    scattered = jnp.where(onehot, 0.0, logits)
    # where(~mask_ids, scattered, logits)
    logits = jnp.where(mask_ids[..., None], logits, scattered)
    # F.cross_entropy applies log_softmax internally
    logprobs = logits - jax.scipy.special.logsumexp(logits, axis=-1, keepdims=True)
    rec_loss = -jnp.take_along_axis(logprobs, input_ids[..., None], axis=-1)[..., 0]
    weights = dsigma[:, None] / jnp.expm1(sigma_t)[:, None]
    weights = weights * mask_ids.astype(weights.dtype)
    elbo = weights * rec_loss
    rec_metric = (weights * jax.lax.stop_gradient(rec_loss) * attention_mask).sum() / attention_mask.sum()
    elbo_metric = (jax.lax.stop_gradient(elbo) * attention_mask).sum() / attention_mask.sum()
    return elbo, elbo, rec_metric, elbo_metric


def reference(logits, input_ids, attention_mask, z_t, t):
    loss, elbo, rec_metric, elbo_metric = _mdlm_core(logits, input_ids, attention_mask, z_t, t)
    # reduction == 'tokenmean'
    loss = (loss * attention_mask).sum() / attention_mask.sum()
    return (loss, elbo, rec_metric, elbo_metric)

if __name__ == "__main__":
    import jax
    _d = setup_inputs()
    print(jax.jit(kernel)(*tuple(_d.values())))

</pallas_src>

<mosaic_0001>
#map = affine_map<(d0, d1) -> (0, 0)>
#map1 = affine_map<(d0, d1) -> (0)>
module attributes {stable_mosaic.version = 14 : i64} {
  func.func @_gather_body(%arg0: i32, %arg1: i32, %arg2: memref<1024000x128xf32, #tpu.memory_space<hbm>>, %arg3: memref<4096xi32, #tpu.memory_space<hbm>>, %arg4: memref<4096x128xf32, #tpu.memory_space<hbm>>, %arg5: memref<128xi32, #tpu.memory_space<vmem>>, %arg6: memref<128xi32, #tpu.memory_space<vmem>>, %arg7: memref<128x128xf32, #tpu.memory_space<vmem>>, %arg8: memref<!tpu.dma_semaphore, #tpu.memory_space<semaphore_mem>>) attributes {dimension_semantics = [#tpu.dimension_semantics<core_parallel>, #tpu.dimension_semantics<subcore_parallel>], iteration_bounds = array<i64: 2, 16>, scalar_prefetch = 0 : i64, scratch_operands = 4 : i64, tpu.core_type = #tpu.core_type<sc_vector_subcore>, window_params = [{transform_indices = #map}, {transform_indices = #map1}, {transform_indices = #map}]} {
    %mul3A = arith.constant 2 : i32
    %mul3A_0 = arith.muli %arg1, %mul3A : i32
    %add3A = arith.addi %mul3A_0, %arg0 : i32
    %mul3A_1 = arith.constant 128 : i32
    %mul3A_2 = arith.muli %add3A, %mul3A_1 : i32
    "tpu.region"() ({
      %run_scoped3A = tpu.sem_alloc : memref<!tpu.dma_semaphore, #tpu.memory_space<semaphore_mem>>
      %dma_start3A_13 = tpu.memref_slice %arg3[%mul3A_2] : memref<4096xi32, #tpu.memory_space<hbm>> -> memref<128xi32, #tpu.memory_space<hbm>>
      %dma_start3A_14 = tpu.memref_slice %arg3[%mul3A_2] : memref<4096xi32, #tpu.memory_space<hbm>> -> memref<128xi32, #tpu.memory_space<hbm>>
      tpu.enqueue_dma source(%dma_start3A_14 : memref<128xi32, #tpu.memory_space<hbm>>) target(%arg5 : memref<128xi32, #tpu.memory_space<vmem>>) target_semaphore(%run_scoped3A : memref<!tpu.dma_semaphore, #tpu.memory_space<semaphore_mem>>)
      %dma_wait3A_15 = tpu.memref_slice %arg3[%mul3A_2] : memref<4096xi32, #tpu.memory_space<hbm>> -> memref<128xi32, #tpu.memory_space<hbm>>
      %dma_wait3A_16 = tpu.memref_slice %arg3[%mul3A_2] : memref<4096xi32, #tpu.memory_space<hbm>> -> memref<128xi32, #tpu.memory_space<hbm>>
      tpu.wait_dma2 semaphore(%run_scoped3A : memref<!tpu.dma_semaphore, #tpu.memory_space<semaphore_mem>>) src(%dma_wait3A_16 : memref<128xi32, #tpu.memory_space<hbm>>) dst(%arg5 : memref<128xi32, #tpu.memory_space<vmem>>)
      tpu.yield
    }) : () -> ()
    %scan3A = arith.constant 0 : i32
    %scan3A_3 = arith.constant 0 : i32
    %scan3A_4 = arith.constant 8 : i32
    %scan3A_5 = arith.addi %scan3A_3, %scan3A_4 : i32
    %scan3A_6 = arith.constant 1 : i32
    %scan3A_7 = scf.for %scan3A_13 = %scan3A_3 to %scan3A_5 step %scan3A_6 iter_args(%scan3A_14 = %scan3A) -> (i32)  : i32 {
      %mul3A_15 = arith.constant 16 : i32
      %mul3A_16 = arith.muli %scan3A_13, %mul3A_15 : i32
      %get3A = arith.index_cast %mul3A_16 : i32 to index
      %get3A_17 = tpu.vector_load %arg5[%get3A] {strides = array<i32>} : memref<128xi32, #tpu.memory_space<vmem>>, vector<16xi32>,
      %get3A_18 = vector.shape_cast %get3A_17 : vector<16xi32> to vector<16xi32>
      %iota3A = tpu.iota {dimensions = array<i32: 0>} : vector<16xi32>
      %mul3A_19 = arith.constant 16 : i32
      %mul3A_20 = arith.muli %scan3A_13, %mul3A_19 : i32
      %add3A_21 = arith.addi %mul3A_2, %mul3A_20 : i32
      %add3A_22 = vector.broadcast %add3A_21 : i32 to vector<16xi32>
      %add3A_23 = arith.addi %iota3A, %add3A_22 : vector<16xi32>
      %mul3A_24 = arith.constant 250 : i32
      %mul3A_25 = vector.broadcast %mul3A_24 : i32 to vector<16xi32>
      %mul3A_26 = arith.muli %add3A_23, %mul3A_25 : vector<16xi32>
      %shift_right_logical3A = arith.constant 7 : i32
      %shift_right_logical3A_27 = vector.broadcast %shift_right_logical3A : i32 to vector<16xi32>
      %shift_right_logical3A_28 = arith.shrui %get3A_18, %shift_right_logical3A_27 : vector<16xi32>
      %add3A_29 = arith.addi %mul3A_26, %shift_right_logical3A_28 : vector<16xi32>
      %mul3A_30 = arith.constant 16 : i32
      %mul3A_31 = arith.muli %scan3A_13, %mul3A_30 : i32
      %swap3A = arith.index_cast %mul3A_31 : i32 to index
      %swap3A_32 = tpu.vector_load %arg6[%swap3A] {strides = array<i32>} : memref<128xi32, #tpu.memory_space<vmem>>, vector<16xi32>,
      %swap3A_33 = vector.shape_cast %swap3A_32 : vector<16xi32> to vector<16xi32>
      %swap3A_34 = vector.shape_cast %add3A_29 : vector<16xi32> to vector<16xi32>
      tpu.vector_store %arg6[%swap3A], %swap3A_34 {strides = array<i32>} : memref<128xi32, #tpu.memory_space<vmem>>, vector<16xi32>,
      %scan3A_35 = arith.constant 0 : i32
      scf.yield %scan3A_35 : i32
    }
    %scan3A_8 = arith.constant 8 : i32
    %dma_start3A = arith.constant 0 : i32
    %dma_start3A_9 = arith.constant 0 : i32
    %dma_start3A_10 = tpu.memref_slice %arg2[%dma_start3A, %dma_start3A_9] : memref<1024000x128xf32, #tpu.memory_space<hbm>> -> memref<1024000x128xf32, #tpu.memory_space<hbm>>
    tpu.enqueue_indirect_dma source(%dma_start3A_10 : memref<1024000x128xf32, #tpu.memory_space<hbm>>) target(%arg7 : memref<128x128xf32, #tpu.memory_space<vmem>>) offsets(%arg6 : memref<128xi32, #tpu.memory_space<vmem>>) semaphore(%arg8 : memref<!tpu.dma_semaphore, #tpu.memory_space<semaphore_mem>>)
    %dma_wait3A = arith.constant 0 : i32
    %dma_wait3A_11 = arith.constant 0 : i32
    %dma_wait3A_12 = tpu.memref_slice %arg2[%dma_wait3A, %dma_wait3A_11] : memref<1024000x128xf32, #tpu.memory_space<hbm>> -> memref<1024000x128xf32, #tpu.memory_space<hbm>>
    tpu.wait_indirect_dma semaphore(%arg8 : memref<!tpu.dma_semaphore, #tpu.memory_space<semaphore_mem>>) src(%dma_wait3A_12 : memref<1024000x128xf32, #tpu.memory_space<hbm>>) dst(%arg7 : memref<128x128xf32, #tpu.memory_space<vmem>>)
    "tpu.region"() ({
      %run_scoped3A = tpu.sem_alloc : memref<!tpu.dma_semaphore, #tpu.memory_space<semaphore_mem>>
      %dma_start3A_13 = arith.constant 0 : i32
      %dma_start3A_14 = tpu.memref_slice %arg4[%mul3A_2, %dma_start3A_13] : memref<4096x128xf32, #tpu.memory_space<hbm>> -> memref<128x128xf32, #tpu.memory_space<hbm>>
      %dma_start3A_15 = arith.constant 0 : i32
      %dma_start3A_16 = tpu.memref_slice %arg4[%mul3A_2, %dma_start3A_15] : memref<4096x128xf32, #tpu.memory_space<hbm>> -> memref<128x128xf32, #tpu.memory_space<hbm>>
      tpu.enqueue_dma source(%arg7 : memref<128x128xf32, #tpu.memory_space<vmem>>) target(%dma_start3A_16 : memref<128x128xf32, #tpu.memory_space<hbm>>) target_semaphore(%run_scoped3A : memref<!tpu.dma_semaphore, #tpu.memory_space<semaphore_mem>>)
      %dma_wait3A_17 = arith.constant 0 : i32
      %dma_wait3A_18 = tpu.memref_slice %arg4[%mul3A_2, %dma_wait3A_17] : memref<4096x128xf32, #tpu.memory_space<hbm>> -> memref<128x128xf32, #tpu.memory_space<hbm>>
      %dma_wait3A_19 = arith.constant 0 : i32
      %dma_wait3A_20 = tpu.memref_slice %arg4[%mul3A_2, %dma_wait3A_19] : memref<4096x128xf32, #tpu.memory_space<hbm>> -> memref<128x128xf32, #tpu.memory_space<hbm>>
      tpu.wait_dma2 semaphore(%run_scoped3A : memref<!tpu.dma_semaphore, #tpu.memory_space<semaphore_mem>>) src(%arg7 : memref<128x128xf32, #tpu.memory_space<vmem>>) dst(%dma_wait3A_20 : memref<128x128xf32, #tpu.memory_space<hbm>>)
      tpu.yield
    }) : () -> ()
    return
  }
}

module attributes {stable_mosaic.version = 14 : i64} {
  func.func @_mdlm_body(%arg0: i32, %arg1: i32, %arg2: memref<256x6400xf32, #tpu.memory_space<vmem>>, %arg3: memref<256x1xi32, #tpu.memory_space<vmem>>, %arg4: memref<256x1xi32, #tpu.memory_space<vmem>>, %arg5: memref<256x1xf32, #tpu.memory_space<vmem>>, %arg6: memref<256x128xf32, #tpu.memory_space<vmem>>, %arg7: memref<2xf32, #tpu.memory_space<smem>>, %arg8: memref<256x1xf32, #tpu.memory_space<vmem>>, %arg9: memref<1x1xf32, #tpu.memory_space<smem>>, %arg10: memref<256x1xf32, #tpu.memory_space<vmem>>, %arg11: memref<256x1xf32, #tpu.memory_space<vmem>>, %arg12: memref<2xf32, #tpu.memory_space<smem>>) attributes {dimension_semantics = [#tpu.dimension_semantics<arbitrary>, #tpu.dimension_semantics<arbitrary>], iteration_bounds = array<i64: 16, 5>, scalar_prefetch = 0 : i64, scratch_operands = 3 : i64, tpu.core_type = #tpu.core_type<tc>, window_params = [{transform_indices = @transform_0, window_bounds = array<i64: 256, 6400>}, {transform_indices = @transform_1, window_bounds = array<i64: 256, 1>}, {transform_indices = @transform_2, window_bounds = array<i64: 256, 1>}, {transform_indices = @transform_3, window_bounds = array<i64: 256, 1>}, {transform_indices = @transform_4, window_bounds = array<i64: 256, 128>}, {transform_indices = @transform_5, window_bounds = array<i64: 2>}, {transform_indices = @transform_6, window_bounds = array<i64: 256, 1>}, {transform_indices = @transform_7, window_bounds = array<i64: 1, 1>}]} {
    %get3A = arith.constant 0 : index
    %get3A_0 = arith.constant 0 : index
    %get3A_1 = vector.load %arg2[%get3A, %get3A_0] : memref<256x6400xf32, #tpu.memory_space<vmem>>, vector<256x6400xf32>
    %mul3A = arith.constant 6400 : i32
    %mul3A_2 = arith.muli %arg1, %mul3A : i32
    %iota3A = tpu.iota {dimensions = array<i32: 1>} : vector<1x6400xi32>
    %sub3A = arith.constant 1 : i32
    %sub3A_3 = arith.subi %sub3A, %mul3A_2 : i32
    %eq3A = vector.broadcast %sub3A_3 : i32 to vector<1x6400xi32>
    %eq3A_4 = arith.cmpi eq, %iota3A, %eq3A : vector<1x6400xi32>
    %jit3A = arith.constant -1.000000e+06 : f32
    %broadcast_in_dim3A = vector.shape_cast %eq3A_4 : vector<1x6400xi1> to vector<1x6400xi1>
    %broadcast_in_dim3A_5 = vector.broadcast %broadcast_in_dim3A : vector<1x6400xi1> to vector<256x6400xi1>
    %broadcast_in_dim3A_6 = vector.broadcast %jit3A : f32 to vector<256x6400xf32>
    %select_n3A = arith.select %broadcast_in_dim3A_5, %broadcast_in_dim3A_6, %get3A_1 : vector<256x6400xi1>, vector<256x6400xf32>
    %reduce_max3A = arith.constant dense<0xFF800000> : vector<256xf32>
    %reduce_max3A_7 = vector.multi_reduction <maximumf>, %select_n3A, %reduce_max3A [1] : vector<256x6400xf32> to vector<256xf32>
    %broadcast_in_dim3A_8 = vector.shape_cast %reduce_max3A_7 : vector<256xf32> to vector<256x1xf32>
    %sub3A_9 = vector.broadcast %broadcast_in_dim3A_8 : vector<256x1xf32> to vector<256x6400xf32>
    %sub3A_10 = arith.subf %select_n3A, %sub3A_9 : vector<256x6400xf32>
    %exp3A = math.exp %sub3A_10 : vector<256x6400xf32>
    %reduce_sum3A = arith.constant dense<0.000000e+00> : vector<256xf32>
    %reduce_sum3A_11 = vector.multi_reduction <add>, %exp3A, %reduce_sum3A [1] : vector<256x6400xf32> to vector<256xf32>
    %broadcast_in_dim3A_12 = vector.shape_cast %reduce_sum3A_11 : vector<256xf32> to vector<256x1xf32>
    %eq3A_13 = arith.constant 0 : i32
    %eq3A_14 = arith.cmpi eq, %arg1, %eq3A_13 : i32
    %convert_element_type3A = arith.extui %eq3A_14 : i1 to i32
    %cond3A = arith.constant 0 : i32
    %cond3A_15 = arith.cmpi ne, %convert_element_type3A, %cond3A : i32
    scf.if %cond3A_15 {
      %swap3A = arith.constant 0 : index
      %swap3A_32 = arith.constant 0 : index
      %swap3A_33 = vector.load %arg10[%swap3A, %swap3A_32] : memref<256x1xf32, #tpu.memory_space<vmem>>, vector<256x1xf32>
      tpu.vector_store %arg10[%swap3A, %swap3A_32], %broadcast_in_dim3A_8 {strides = array<i32>} : memref<256x1xf32, #tpu.memory_space<vmem>>, vector<256x1xf32>,
      %swap3A_34 = arith.constant 0 : index
      %swap3A_35 = arith.constant 0 : index
      %swap3A_36 = vector.load %arg11[%swap3A_34, %swap3A_35] : memref<256x1xf32, #tpu.memory_space<vmem>>, vector<256x1xf32>
      tpu.vector_store %arg11[%swap3A_34, %swap3A_35], %broadcast_in_dim3A_12 {strides = array<i32>} : memref<256x1xf32, #tpu.memory_space<vmem>>, vector<256x1xf32>,
    } else {
    }
    %gt3A = arith.constant 0 : i32
    %gt3A_16 = arith.cmpi sgt, %arg1, %gt3A : i32
    %convert_element_type3A_17 = arith.extui %gt3A_16 : i1 to i32
    %cond3A_18 = arith.constant 0 : i32
    %cond3A_19 = arith.cmpi ne, %convert_element_type3A_17, %cond3A_18 : i32
    scf.if %cond3A_19 {
      %get3A_32 = arith.constant 0 : index
      %get3A_33 = arith.constant 0 : index
      %get3A_34 = vector.load %arg10[%get3A_32, %get3A_33] : memref<256x1xf32, #tpu.memory_space<vmem>>, vector<256x1xf32>
      %get3A_35 = arith.constant 0 : index
      %get3A_36 = arith.constant 0 : index
      %get3A_37 = vector.load %arg11[%get3A_35, %get3A_36] : memref<256x1xf32, #tpu.memory_space<vmem>>, vector<256x1xf32>
      %max3A = arith.maximumf %get3A_34, %broadcast_in_dim3A_8 : vector<256x1xf32>
      %sub3A_38 = arith.subf %get3A_34, %max3A : vector<256x1xf32>
      %exp3A_39 = math.exp %sub3A_38 : vector<256x1xf32>
      %mul3A_40 = arith.mulf %get3A_37, %exp3A_39 : vector<256x1xf32>
      %sub3A_41 = arith.subf %broadcast_in_dim3A_8, %max3A : vector<256x1xf32>
      %exp3A_42 = math.exp %sub3A_41 : vector<256x1xf32>
      %mul3A_43 = arith.mulf %broadcast_in_dim3A_12, %exp3A_42 : vector<256x1xf32>
      %add3A = arith.addf %mul3A_40, %mul3A_43 : vector<256x1xf32>
      %swap3A = arith.constant 0 : index
      %swap3A_44 = arith.constant 0 : index
      %swap3A_45 = vector.load %arg11[%swap3A, %swap3A_44] : memref<256x1xf32, #tpu.memory_space<vmem>>, vector<256x1xf32>
      tpu.vector_store %arg11[%swap3A, %swap3A_44], %add3A {strides = array<i32>} : memref<256x1xf32, #tpu.memory_space<vmem>>, vector<256x1xf32>,
      %swap3A_46 = arith.constant 0 : index
      %swap3A_47 = arith.constant 0 : index
      %swap3A_48 = vector.load %arg10[%swap3A_46, %swap3A_47] : memref<256x1xf32, #tpu.memory_space<vmem>>, vector<256x1xf32>
      tpu.vector_store %arg10[%swap3A_46, %swap3A_47], %max3A {strides = array<i32>} : memref<256x1xf32, #tpu.memory_space<vmem>>, vector<256x1xf32>,
    } else {
    }
    %eq3A_20 = arith.constant 0 : i32
    %eq3A_21 = arith.cmpi eq, %arg0, %eq3A_20 : i32
    %eq3A_22 = arith.constant 0 : i32
    %eq3A_23 = arith.cmpi eq, %arg1, %eq3A_22 : i32
    %and3A = arith.andi %eq3A_21, %eq3A_23 : i1
    %convert_element_type3A_24 = arith.extui %and3A : i1 to i32
    %cond3A_25 = arith.constant 0 : i32
    %cond3A_26 = arith.cmpi ne, %convert_element_type3A_24, %cond3A_25 : i32
    scf.if %cond3A_26 {
      %swap3A = arith.constant 0.000000e+00 : f32
      %swap3A_32 = arith.constant 0 : index
      %swap3A_33 = memref.load %arg12[%swap3A_32] : memref<2xf32, #tpu.memory_space<smem>>
      memref.store %swap3A, %arg12[%swap3A_32] : memref<2xf32, #tpu.memory_space<smem>>
      %swap3A_34 = arith.constant 0.000000e+00 : f32
      %swap3A_35 = arith.constant 1 : index
      %swap3A_36 = memref.load %arg12[%swap3A_35] : memref<2xf32, #tpu.memory_space<smem>>
      memref.store %swap3A_34, %arg12[%swap3A_35] : memref<2xf32, #tpu.memory_space<smem>>
    } else {
    }
    %eq3A_27 = arith.constant 4 : i32
    %eq3A_28 = arith.cmpi eq, %arg1, %eq3A_27 : i32
    %convert_element_type3A_29 = arith.extui %eq3A_28 : i1 to i32
    %cond3A_30 = arith.constant 0 : i32
    %cond3A_31 = arith.cmpi ne, %convert_element_type3A_29, %cond3A_30 : i32
    scf.if %cond3A_31 {
      %get3A_32 = arith.constant 0 : index
      %get3A_33 = arith.constant 0 : index
      %get3A_34 = vector.load %arg10[%get3A_32, %get3A_33] : memref<256x1xf32, #tpu.memory_space<vmem>>, vector<256x1xf32>
      %get3A_35 = arith.constant 0 : index
      %get3A_36 = arith.constant 0 : index
      %get3A_37 = vector.load %arg11[%get3A_35, %get3A_36] : memref<256x1xf32, #tpu.memory_space<vmem>>, vector<256x1xf32>
      %log3A = math.log %get3A_37 : vector<256x1xf32>
      %add3A = arith.addf %get3A_34, %log3A : vector<256x1xf32>
      %get3A_38 = arith.constant 0 : index
      %get3A_39 = arith.constant 0 : index
      %get3A_40 = vector.load %arg3[%get3A_38, %get3A_39] : memref<256x1xi32, #tpu.memory_space<vmem>>, vector<256x1xi32>
      %and3A_41 = arith.constant 127 : i32
      %and3A_42 = vector.broadcast %and3A_41 : i32 to vector<256x1xi32>
      %and3A_43 = arith.andi %get3A_40, %and3A_42 : vector<256x1xi32>
      %iota3A_44 = tpu.iota {dimensions = array<i32: 1>} : vector<1x128xi32>
      %get3A_45 = arith.constant 0 : index
      %get3A_46 = arith.constant 0 : index
      %get3A_47 = vector.load %arg6[%get3A_45, %get3A_46] : memref<256x128xf32, #tpu.memory_space<vmem>>, vector<256x128xf32>
      %eq3A_48 = vector.broadcast %iota3A_44 : vector<1x128xi32> to vector<256x128xi32>
      %eq3A_49 = vector.broadcast %and3A_43 : vector<256x1xi32> to vector<256x128xi32>
      %eq3A_50 = arith.cmpi eq, %eq3A_48, %eq3A_49 : vector<256x128xi32>
      %jit3A_51 = arith.constant 0.000000e+00 : f32
      %broadcast_in_dim3A_52 = vector.broadcast %jit3A_51 : f32 to vector<256x128xf32>
      %select_n3A_53 = arith.select %eq3A_50, %get3A_47, %broadcast_in_dim3A_52 : vector<256x128xi1>, vector<256x128xf32>
      %reduce_sum3A_54 = arith.constant dense<0.000000e+00> : vector<256xf32>
      %reduce_sum3A_55 = vector.multi_reduction <add>, %select_n3A_53, %reduce_sum3A_54 [1] : vector<256x128xf32> to vector<256xf32>
      %broadcast_in_dim3A_56 = vector.shape_cast %reduce_sum3A_55 : vector<256xf32> to vector<256x1xf32>
      %eq3A_57 = arith.constant 1 : i32
      %eq3A_58 = vector.broadcast %eq3A_57 : i32 to vector<256x1xi32>
      %eq3A_59 = arith.cmpi eq, %get3A_40, %eq3A_58 : vector<256x1xi32>
      %jit3A_60 = arith.constant -1.000000e+06 : f32
      %broadcast_in_dim3A_61 = vector.broadcast %jit3A_60 : f32 to vector<256x1xf32>
      %select_n3A_62 = arith.select %eq3A_59, %broadcast_in_dim3A_61, %broadcast_in_dim3A_56 : vector<256x1xi1>, vector<256x1xf32>
      %get3A_63 = arith.constant 0 : index
      %get3A_64 = arith.constant 0 : index
      %get3A_65 = vector.load %arg4[%get3A_63, %get3A_64] : memref<256x1xi32, #tpu.memory_space<vmem>>, vector<256x1xi32>
      %eq3A_66 = arith.constant 1 : i32
      %eq3A_67 = vector.broadcast %eq3A_66 : i32 to vector<256x1xi32>
      %eq3A_68 = arith.cmpi eq, %get3A_65, %eq3A_67 : vector<256x1xi32>
      %convert_element_type3A_69 = arith.extui %eq3A_68 : vector<256x1xi1> to vector<256x1xi32>
      %convert_element_type3A_70 = arith.sitofp %convert_element_type3A_69 : vector<256x1xi32> to vector<256x1xf32>
      %mul3A_71 = arith.constant 256 : i32
      %mul3A_72 = arith.muli %arg0, %mul3A_71 : i32
      %jit3A_73 = arith.constant 2048 : i32
      %div3A = arith.divsi %mul3A_72, %jit3A_73 : i32
      %sign3A = arith.constant 0 : i32
      %sign3A_74 = arith.cmpi sgt, %mul3A_72, %sign3A : i32
      %sign3A_75 = arith.extui %sign3A_74 : i1 to i32
      %sign3A_76 = arith.constant 0 : i32
      %sign3A_77 = arith.cmpi slt, %mul3A_72, %sign3A_76 : i32
      %sign3A_78 = arith.extui %sign3A_77 : i1 to i32
      %sign3A_79 = arith.subi %sign3A_75, %sign3A_78 : i32
      %sign3A_80 = arith.constant 0 : i32
      %sign3A_81 = arith.cmpi sgt, %jit3A_73, %sign3A_80 : i32
      %sign3A_82 = arith.extui %sign3A_81 : i1 to i32
      %sign3A_83 = arith.constant 0 : i32
      %sign3A_84 = arith.cmpi slt, %jit3A_73, %sign3A_83 : i32
      %sign3A_85 = arith.extui %sign3A_84 : i1 to i32
      %sign3A_86 = arith.subi %sign3A_82, %sign3A_85 : i32
      %ne3A = arith.cmpi ne, %sign3A_79, %sign3A_86 : i32
      %rem3A = arith.remsi %mul3A_72, %jit3A_73 : i32
      %ne3A_87 = arith.constant 0 : i32
      %ne3A_88 = arith.cmpi ne, %rem3A, %ne3A_87 : i32
      %and3A_89 = arith.andi %ne3A, %ne3A_88 : i1
      %sub3A_90 = arith.constant 1 : i32
      %sub3A_91 = arith.subi %div3A, %sub3A_90 : i32
      %select_n3A_92 = arith.select %and3A_89, %sub3A_91, %div3A : i32
      %get3A_93 = arith.index_cast %select_n3A_92 : i32 to index
      %get3A_94 = memref.load %arg7[%get3A_93] : memref<2xf32, #tpu.memory_space<smem>>
      %jit3A_95 = arith.constant 9.99999974E-5 : f32
      %jit3A_96 = arith.constant 1.000000e+00 : f32
      %max3A = arith.maximumf %jit3A_95, %get3A_94 : f32
      %min3A = arith.minimumf %jit3A_96, %max3A : f32
      %div3A_97 = arith.constant 1.000000e+00 : f32
      %div3A_98 = arith.divf %div3A_97, %min3A : f32
      %mul3A_99 = vector.broadcast %div3A_98 : f32 to vector<256x1xf32>
      %mul3A_100 = arith.mulf %convert_element_type3A_70, %mul3A_99 : vector<256x1xf32>
      %sub3A_101 = arith.subf %add3A, %select_n3A_62 : vector<256x1xf32>
      %mul3A_102 = arith.mulf %mul3A_100, %sub3A_101 : vector<256x1xf32>
      %swap3A = arith.constant 0 : index
      %swap3A_103 = arith.constant 0 : index
      %swap3A_104 = vector.load %arg8[%swap3A, %swap3A_103] : memref<256x1xf32, #tpu.memory_space<vmem>>, vector<256x1xf32>
      tpu.vector_store %arg8[%swap3A, %swap3A_103], %mul3A_102 {strides = array<i32>} : memref<256x1xf32, #tpu.memory_space<vmem>>, vector<256x1xf32>,
      %get3A_105 = arith.constant 0 : index
      %get3A_106 = arith.constant 0 : index
      %get3A_107 = vector.load %arg5[%get3A_105, %get3A_106] : memref<256x1xf32, #tpu.memory_space<vmem>>, vector<256x1xf32>
      %get3A_108 = arith.constant 0 : index
      %get3A_109 = memref.load %arg12[%get3A_108] : memref<2xf32, #tpu.memory_space<smem>>
      %mul3A_110 = arith.mulf %mul3A_102, %get3A_107 : vector<256x1xf32>
      %reduce_sum3A_111 = vector.shape_cast %mul3A_110 : vector<256x1xf32> to vector<1x256x1xf32>
      %reduce_sum3A_112 = arith.constant dense<0.000000e+00> : vector<1xf32>
      %reduce_sum3A_113 = vector.multi_reduction <add>, %reduce_sum3A_111, %reduce_sum3A_112 [1, 2] : vector<1x256x1xf32> to vector<1xf32>
      %reduce_sum3A_114 = vector.shape_cast %reduce_sum3A_113 : vector<1xf32> to vector<1x1x1xf32>
      %reduce_sum3A_115 = vector.extract %reduce_sum3A_114[0, 0, 0] : f32 from vector<1x1x1xf32>
      %add3A_116 = arith.addf %get3A_109, %reduce_sum3A_115 : f32
      %swap3A_117 = arith.constant 0 : index
      %swap3A_118 = memref.load %arg12[%swap3A_117] : memref<2xf32, #tpu.memory_space<smem>>
      memref.store %add3A_116, %arg12[%swap3A_117] : memref<2xf32, #tpu.memory_space<smem>>
      %get3A_119 = arith.constant 1 : index
      %get3A_120 = memref.load %arg12[%get3A_119] : memref<2xf32, #tpu.memory_space<smem>>
      %reduce_sum3A_121 = vector.shape_cast %get3A_107 : vector<256x1xf32> to vector<1x256x1xf32>
      %reduce_sum3A_122 = arith.constant dense<0.000000e+00> : vector<1xf32>
      %reduce_sum3A_123 = vector.multi_reduction <add>, %reduce_sum3A_121, %reduce_sum3A_122 [1, 2] : vector<1x256x1xf32> to vector<1xf32>
      %reduce_sum3A_124 = vector.shape_cast %reduce_sum3A_123 : vector<1xf32> to vector<1x1x1xf32>
      %reduce_sum3A_125 = vector.extract %reduce_sum3A_124[0, 0, 0] : f32 from vector<1x1x1xf32>
      %add3A_126 = arith.addf %get3A_120, %reduce_sum3A_125 : f32
      %swap3A_127 = arith.constant 1 : index
      %swap3A_128 = memref.load %arg12[%swap3A_127] : memref<2xf32, #tpu.memory_space<smem>>
      memref.store %add3A_126, %arg12[%swap3A_127] : memref<2xf32, #tpu.memory_space<smem>>
      %eq3A_129 = arith.constant 15 : i32
      %eq3A_130 = arith.cmpi eq, %arg0, %eq3A_129 : i32
      %convert_element_type3A_131 = arith.extui %eq3A_130 : i1 to i32
      %cond3A_132 = arith.constant 0 : i32
      %cond3A_133 = arith.cmpi ne, %convert_element_type3A_131, %cond3A_132 : i32
      scf.if %cond3A_133 {
        %get3A_134 = arith.constant 0 : index
        %get3A_135 = memref.load %arg12[%get3A_134] : memref<2xf32, #tpu.memory_space<smem>>
        %get3A_136 = arith.constant 1 : index
        %get3A_137 = memref.load %arg12[%get3A_136] : memref<2xf32, #tpu.memory_space<smem>>
        %div3A_138 = arith.divf %get3A_135, %get3A_137 : f32
        %swap3A_139 = arith.constant 0 : index
        %swap3A_140 = arith.constant 0 : index
        %swap3A_141 = memref.load %arg9[%swap3A_139, %swap3A_140] : memref<1x1xf32, #tpu.memory_space<smem>>
        memref.store %div3A_138, %arg9[%swap3A_139, %swap3A_140] : memref<1x1xf32, #tpu.memory_space<smem>>
      } else {
      }
    } else {
    }
    return
  }
  func.func @transform_0(%arg0: i32, %arg1: i32) -> (i32, i32) {
    %c0_i32 = arith.constant 0 : i32
    return %arg0, %arg1 : i32, i32
  }
  func.func @transform_1(%arg0: i32, %arg1: i32) -> (i32, i32) {
    %c0_i32 = arith.constant 0 : i32
    %c0_i32_0 = arith.constant 0 : i32
    return %arg0, %c0_i32 : i32, i32
  }
  func.func @transform_2(%arg0: i32, %arg1: i32) -> (i32, i32) {
    %c0_i32 = arith.constant 0 : i32
    %c0_i32_0 = arith.constant 0 : i32
    return %arg0, %c0_i32 : i32, i32
  }
  func.func @transform_3(%arg0: i32, %arg1: i32) -> (i32, i32) {
    %c0_i32 = arith.constant 0 : i32
    %c0_i32_0 = arith.constant 0 : i32
    return %arg0, %c0_i32 : i32, i32
  }
  func.func @transform_4(%arg0: i32, %arg1: i32) -> (i32, i32) {
    %c0_i32 = arith.constant 0 : i32
    %c0_i32_0 = arith.constant 0 : i32
    return %arg0, %c0_i32 : i32, i32
  }
  func.func @transform_5(%arg0: i32, %arg1: i32) -> i32 {
    %c0_i32 = arith.constant 0 : i32
    %c0_i32_0 = arith.constant 0 : i32
    return %c0_i32 : i32
  }
  func.func @transform_6(%arg0: i32, %arg1: i32) -> (i32, i32) {
    %c0_i32 = arith.constant 0 : i32
    %c0_i32_0 = arith.constant 0 : i32
    return %arg0, %c0_i32 : i32, i32
  }
  func.func @transform_7(%arg0: i32, %arg1: i32) -> (i32, i32) {
    %c0_i32 = arith.constant 0 : i32
    %c0_i32_0 = arith.constant 0 : i32
    %c0_i32_1 = arith.constant 0 : i32
    return %c0_i32, %c0_i32_0 : i32, i32
  }
}

</mosaic_0001>

<sc_bundles>
// kernel: kernel.4.cloned.1.call-start
scs
__scs_entry_jumppad:
0x0: {  	(pc) =	sbr.rel $0x88, $3  }
0x1: {  	(tag) =	ssettag $0x0;
	lr =	simm.s32 $0x1  }
0x2: {  	[smem:$0x3F9C] =	sst lr;
	_ =	strace $0xD0000000  }
0x3: {  	_ = 	snop  }
0x4: {  	_ = 	snop  }
0x5: {  	_ = 	snop  }
0x6: {  	_ = 	snop  }
0x7: {  	_ = 	snop  }
__scs_overlays_trampoline_lowered:
0x8: {  	[smem:$0x3FAB] =	sst s0  }
0x9: {  	[smem:$0x3FAC] =	sst s1  }
0xa: {  	[smem:$0x3FAD] =	sst s2  }
0xb: {  	[smem:$0x3FAE] =	sst s3  }
0xc: {  	[smem:$0x3FAF] =	sst s4  }
0xd: {  	[smem:$0x3FB0] =	sst s5  }
0xe: {  	[smem:$0x3FB1] =	sst s6  }
0xf: {  	[smem:$0x3FB2] =	sst s7  }
0x10: {  	[smem:$0x3FB3] =	sst s8  }
0x11: {  	[smem:$0x3FB4] =	sst s9;
	s0 =	simm.s32 @!p0 $0x0  }
0x12: {  	s1 =	sld [smem:$0x3F9A];
	s0 =	simm.s32 @p0 $0x1  }
0x13: {  	[smem:$0x3FB5] =	sst s0;
	s0 =	simm.s32 @!p1 $0x0  }
0x14: {  	s2 =	sld [smem:$0x3F99];
	s0 =	simm.s32 @p1 $0x1  }
0x15: {  	[smem:$0x3FB6] =	sst s0;
	s0 =	simm.s32 @!p2 $0x0  }
0x16: {  	s3 =	sld [smem:$0x3FDB];
	s0 =	simm.s32 @p2 $0x1  }
0x17: {  	s4 =	simm.s32 $0x1BF5;
	[smem:$0x3FB8] =	sst s0  }
0x18: {  	s0 =	sld [smem:$0x3F9B];
	_ =	swait.ge [sflag:s4], $0x0  }
0x19: {  	s7 =	sld [smem:$0x3F9C]  }
0x1a: {  	s8 =	sadd.s32 $0xFFFFE003, lr  }
0x1b: {  	s9 =	sadd.s32 $0xFFFFFEF7, lr;
	s5 =	simm.s32 $0xFFFFFFFF;
	p2 =	slt.u32 s8, $0xFFFFF086  }
0x1c: {  	p1 =	slt.u32 s9, $0xF7A;
	s5 =	simm.s32 @!p2 $0x0  }
0x1d: {  	s5 =	simm.s32 @p1 $0x1;
	p0 =	seq.s32 s7, s2  }
0x1e: {  	s7 =	smul.u32 @!p0 $0xF7A, s2;
	p2 =	seq.s32 @!p0 s5, $0x0  }
0x1f: {  	s9 =	smul.u32 $0xF7A, s1;
	s8 =	simm.s32 @!p0 $0x1BF5;
	p2 =	por !p2, p0  }
0x20: {  	[sflag:s8] =	ssyncset.s32 @!p0 $0xFFFFF086;
	s6 =	sadd.s32 @!p0 s3, s7;
	s7 =	simm.s32 @!p0 $0x108  }
0x21: {  	s3 =	sadd.s32 s3, s9;
	s6 =	sadd.s32 @!p0 $0x88, s6;
	s7 =	simm.s32 @p2 $0x1082  }
0x22: {  	[simem:s7], [sflag:s8] =	dma.local @!p0 [hbm:s6], $0xF7A  }
0x23: {  	s9 =	sor.u32 $0xD0000000, s2;
	s6 =	simm.s32 $0x108;
	_ =	swait.ge @!p0 [sflag:s8], $0x0  }
0x24: {  	s3 =	sadd.s32 $0x88, s3;
	s6 =	simm.s32 @!p1 $0x1082;
	[sflag:s4] =	ssyncset.s32 $0xFFFFF086  }
0x25: {  	[simem:s6], [sflag:s4] =	dma.local [hbm:s3], $0xF7A  }
0x26: {  	[smem:$0x3F9C] =	sst s1;
	(tag) =	ssettag s2;
	_ =	strace s9  }
0x27: {  	s1 =	sld [smem:$0x3FAC]  }
0x28: {  	s2 =	sld [smem:$0x3FAD]  }
0x29: {  	s4 =	sld [smem:$0x3FAF]  }
0x2a: {  	p0 =	seq.s32 s5, $0x0;
	s5 =	sld [smem:$0x3FB0]  }
0x2b: {  	s6 =	sld [smem:$0x3FB1]  }
0x2c: {  	s7 =	sld [smem:$0x3FB2]  }
0x2d: {  	s3 =	simm.s32 $0x108;
	s8 =	sld [smem:$0x3FB3]  }
0x2e: {  	s3 =	simm.s32 @!p0 $0x1082;
	s9 =	sld [smem:$0x3FB4]  }
0x2f: {  	lr =	sadd.s32 s0, s3;
	s0 =	sld [smem:$0x3FAB]  }
0x30: {  	s3 =	sld [smem:$0x3FAE]  }
0x31: {  	[smem:$0x3FB7] =	sst s10  }
0x32: {  	s10 =	sld [smem:$0x3FB5];
	_ =	sdelay $0x3  }
0x33: {  	p0 =	seq.s32 s10, $0x1;
	s10 =	sld [smem:$0x3FB7];
	_ =	sdelay $0x3  }
0x34: {  	[smem:$0x3FB7] =	sst s10  }
0x35: {  	s10 =	sld [smem:$0x3FB6];
	_ =	sdelay $0x3  }
0x36: {  	p1 =	seq.s32 s10, $0x1;
	s10 =	sld [smem:$0x3FB7];
	_ =	sdelay $0x3  }
0x37: {  	[smem:$0x3FB7] =	sst s10  }
0x38: {  	s10 =	sld [smem:$0x3FB8]  }
0x39: {  	_ = 	snop;
	(pc) =	sbr.ind lr, $3  }
0x3a: {  	_ = 	snop  }
0x3b: {  	_ = 	snop  }
0x3c: {  	p2 =	seq.s32 s10, $0x1;
	s10 =	sld [smem:$0x3FB7]  }
0x3d: {  	_ =	shalt  }
0x3e: {  	_ =	shalt  }
0x3f: {  	_ =	shalt  }
0x40: {  	_ =	shalt  }
0x41: {  	_ =	shalt  }
0x42: {  	_ =	shalt  }
0x43: {  	_ =	shalt  }
0x44: {  	_ =	shalt  }
0x45: {  	_ =	shalt  }
0x46: {  	_ =	shalt  }
0x47: {  	_ =	shalt  }
0x48: {  	_ =	shalt  }
0x49: {  	_ =	shalt  }
0x4a: {  	_ =	shalt  }
0x4b: {  	_ =	shalt  }
0x4c: {  	_ =	shalt  }
0x4d: {  	_ =	shalt  }
0x4e: {  	_ =	shalt  }
0x4f: {  	_ =	shalt  }
0x50: {  	_ =	shalt  }
0x51: {  	_ =	shalt  }
0x52: {  	_ =	shalt  }
0x53: {  	_ =	shalt  }
0x54: {  	_ =	shalt  }
0x55: {  	_ =	shalt  }
0x56: {  	_ =	shalt  }
0x57: {  	_ =	shalt  }
0x58: {  	_ =	shalt  }
0x59: {  	_ =	shalt  }
0x5a: {  	_ =	shalt  }
0x5b: {  	_ =	shalt  }
0x5c: {  	_ =	shalt  }
0x5d: {  	_ =	shalt  }
0x5e: {  	_ =	shalt  }
0x5f: {  	_ =	shalt  }
0x60: {  	_ =	shalt  }
0x61: {  	_ =	shalt  }
0x62: {  	_ =	shalt  }
0x63: {  	_ =	shalt  }
0x64: {  	_ =	shalt  }
0x65: {  	_ =	shalt  }
0x66: {  	_ =	shalt  }
0x67: {  	_ =	shalt  }
0x68: {  	_ =	shalt  }
0x69: {  	_ =	shalt  }
0x6a: {  	_ =	shalt  }
0x6b: {  	_ =	shalt  }
0x6c: {  	_ =	shalt  }
0x6d: {  	_ =	shalt  }
0x6e: {  	_ =	shalt  }
0x6f: {  	_ =	shalt  }
0x70: {  	_ =	shalt  }
0x71: {  	_ =	shalt  }
0x72: {  	_ =	shalt  }
0x73: {  	_ =	shalt  }
0x74: {  	_ =	shalt  }
0x75: {  	_ =	shalt  }
0x76: {  	_ =	shalt  }
0x77: {  	_ =	shalt  }
0x78: {  	_ =	shalt  }
0x79: {  	_ =	shalt  }
0x7a: {  	_ =	shalt  }
0x7b: {  	_ =	shalt  }
0x7c: {  	_ =	shalt  }
0x7d: {  	_ =	shalt  }
0x7e: {  	_ =	shalt  }
0x7f: {  	_ =	shalt  }
0x80: {  	_ =	shalt  }
0x81: {  	_ =	shalt  }
0x82: {  	_ =	shalt  }
0x83: {  	_ =	shalt  }
0x84: {  	_ =	shalt  }
0x85: {  	_ =	shalt  }
0x86: {  	_ =	shalt  }
0x87: {  	_ =	shalt  }
.Lfunc_end0:
.L_simem_size_0:
called_computation_lowered:
.L_overlay_start_0:
0x88: {  	s2 =	sld [smem:$0x3FD9]  }
0x89: {  	s3 =	sld [smem:$0x3FFE];
	_ =	sdelay $0x1  }
0x8a: {  	s1 =	srdreg.scid  }
0x8b: {  	s0 =	sand.u32 $0x1, s1  }
0x8c: {  	s14 =	sshll.u32 s0, $0xA;
	s2 =	sadd.s32 s3, s2  }
0x8d: {  	s2 =	sadd.s32 s2, s14  }
0x8e: {  	[smem:$0x3FC3] =	sst s2  }
0x8f: {  	_ = 	snop  }
0x90: {  	s2 =	sld [smem:$0x3FD0];
	_ =	sdelay $0x2  }
0x91: {  	s15 =	simm.s32 $0xA;
	s4 =	simm.s32 $0x10  }
0x92: {  	[smem:s4], [sflag:s15] =	dma.local [hbm:s2], $0x1  }
0x93: {  	_ =	swait.eq [sflag:s15], $0x1  }
0x94: {  	[sflag:s15] =	ssyncset.done $0x0  }
0x95: {  	[sflag:s15] =	ssyncadd.s32 $0xFFFFFFFF  }
0x96: {  	s16 =	sld [smem:$0x11];
	(tm) =	ssettm $0x1  }
0x97: {  	s17 =	sld [smem:$0x3FFB];
	_ =	sdelay $0x3  }
0x98: {  	_ =	strace s17  }
0x99: {  	s3 =	sld [smem:$0x3FFC];
	_ =	sdelay $0x3  }
0x9a: {  	_ =	strace s3  }
0x9b: {  	s3 =	sld [smem:$0x3FFD];
	_ =	sdelay $0x3  }
0x9c: {  	_ =	strace s3  }
0x9d: {  	_ =	strace $0x8FFFFFFF  }
0x9e: {  	s18 =	sld [smem:$0x3FDB];
	_ =	sdelay $0x1  }
0x9f: {  	s19 =	simm.s32 $_scs_section_size  }
0xa0: {  	s5 =	simm.s32 $_size__tile_overlayer_lowered;
	s6 =	simm.s32 $_tile_overlayer_lowered  }
0xa1: {  	s22 =	simm.s32 $0x1BFF;
	s21 =	sshll.u32 s6, $0x1;
	s3 =	sadd.s32 s19, s18  }
0xa2: {  	s7 =	simm.s32 $0x0;
	s20 =	sshll.u32 s5, $0x1;
	s5 =	sadd.s32 s21, s3  }
0xa3: {  	[timem:s7], [sflag:s22] =	dma.local [hbm:s5], s20  }
0xa4: {  	_ =	swait.ge [sflag:s22], s20  }
0xa5: {  	s4 =	ssub.s32 $0x0, s20;
	[sflag:s22] =	ssyncset.done $0x0  }
0xa6: {  	[sflag:s22] =	ssyncadd.s32 s4;
	_ =	sdelay $0x1  }
0xa7: {  	s23 =	simm.s32 $0x1B8B  }
0xa8: {  	_ =	swait.ge [sflag:s23], $0x1  }
0xa9: {  	[sflag:s23] =	ssyncset.done $0x0  }
0xaa: {  	s25 =	simm.s32 $0x1B8E;
	s24 =	sld [smem:$0x3FFE];
	[sflag:s23] =	ssyncadd.s32 $0xFFFFFFFF  }
0xab: {  	s26 =	simm.s32 $execute0_lowered;
	[smem:$0x3FD2] =	sst s25  }
0xac: {  	s5 =	sshll.u32 s26, $0x1;
	_ =	strace $0x80000046;
	[dreg:$0x1] =	wrdreg $0xFFFFFFFF  }
0xad: {  	s28 =	simm.s32 $_size_execute0_lowered;
	s3 =	sadd.s32 s3, s5;
	[dreg:$0x0] =	wrdreg $0x0  }
0xae: {  	s5 =	sshll.u32 s28, $0x1;
	[dreg:$0x2] =	wrdreg s3  }
0xaf: {  	[dreg:$0x3] =	wrdreg s5  }
0xb0: {  	[dreg:$0x4] =	wrdreg $0xC0  }
0xb1: {  	_ =	task [dreg:s7], $0x5FFFF  }
0xb2: {  	[dreg:$0x1] =	wrdreg $0xFFFFFFFF  }
0xb3: {  	[dreg:$0x0] =	wrdreg $0x60  }
0xb4: {  	[dreg:$0x2] =	wrdreg s24  }
0xb5: {  	[dreg:$0x3] =	wrdreg s16  }
0xb6: {  	[dreg:$0x4] =	wrdreg $0x9  }
0xb7: {  	_ =	task.clear_ibuf [dreg:s7], $0x5FFFF;
	_ =	strace $0x90000046  }
0xb8: {  	s29 =	simm.s32 $0x9;
	_ =	strace $0x80000048  }
0xb9: {  	_ =	swait.ge [sflag:s29], $0x1  }
0xba: {  	[sflag:s29] =	ssyncadd.s32 $0xFFFFFFFF  }
0xbb: {  	_ =	strace $0x90000048  }
0xbc: {  	_ =	sfence  }
0xbd: {  	s30 =	sld [smem:$0x0];
	_ =	sdelay $0x2  }
0xbe: {  	s31 =	sshll.u32 s1, $0xD;
	s1 =	sshrl.u32 s1, $0x2  }
0xbf: {  	s3 =	sand.u32 $0x4000, s31;
	s1 =	sadd.s32 s1, s30  }
0xc0: {  	s0 =	sor.u32 s3, s0;
	s1 =	sshll.u32 s1, $0x11  }
0xc1: {  	s0 =	sor.u32 s1, s0  }
0xc2: {  	s0 =	sadd.s32 $0x8F2B, s0  }
0xc3: {  	[sflag:s0] =	ssyncadd.remote.s32 $0x1  }
0xc4: {  	_ =	sfence.sel $0xFFFF  }
0xc5: {  	[dreg:$0x0] =	wrdreg $0xFFFFFFFF;
	(pc) =	sbr.abs _section_cstart, $3  }
0xc6: {  	[dreg:$0x1] =	wrdreg $0xFFFFFFFF  }
0xc7: {  	_ =	task.clear_ibuf [dreg:s7], $0x2FFFF;
	_ =	strace $0x9FFFFFFF  }
0xc8: {  	(tm) =	ssettm $0x7FFFFFFF  }
0xc9: {  	_ =	shalt  }
tec
execute0_lowered:
.L_overlay_start_1:
0x0: {  	(tag) =	ssettag $0x1  }
0x1: {  	s5 =	rddreg [dreg:$0x0]  }
0x2: {  	s6 =	rddreg [dreg:$0x1]  }
0x3: {  	s0 =	rddreg [dreg:$0x2]  }
0x4: {  	s3 =	srdreg.scid;
	s2 =	simm.s32 $0x0;
	s1 =	stileid.u32  }
0x5: {  	s10 =	simm.s32 $0x100;
	s11 =	simm.s32 $0x1;
	s12 =	simm.s32 $0x0  }
0x6: {  	s7 =	sand.u32 $0x1, s3;
	[smem:$0x7FF] =	sst s2;
	s30 =	sshll.u32 s1, $0x8  }
0x7: {  	s4 =	sshll.u32 s7, $0x7;
	_ =	strace $0x80000047;
	s7 =	ssub.s32 $0x2, s7  }
0x8: {  	s3 =	sor.u32 s4, s30;
	s4 =	sadd.s32 $0xE00, s5;
	s31 =	sshrl.u32 s7, $0x1  }
0x9: {  	s8 =	sshll.u32 s3, $0x4;
	s9 =	sshrl.u32 s3, $0x3;
	s7 =	ssub.s32 s7, s31  }
0xa: {  	v0 =	vlaneseq.u32;
	s8 =	sadd.s32 s8, s5;
	s5 =	sadd.s32 s6, s9;
	s7 =	smax.u32 s7, $0x1  }
0xb: {  	v0 =	vmul.u32 $0xFA, v0;
	s9 =	simm.s32 $0x80;
	s6 =	sadd.s32 $0xFA0E00, s8;
	s8 =	simm.s32 $0x2  }
.LBB2_1:
0xc: {  	[tilespmem:s2], [sflag:$0x2] =	stream.linear.gather [hbm4b:s5+s2], $0x80, $0x38;
	[tilespmem:$0x4100] =	vst v63  }
0xd: {  	_ =	swait.ge [sflag:s8], $0x80  }
0xe: {  	[sflag:s8] =	ssyncset.done $0x0  }
0xf: {  	v1 =	vmov s3;
	s13 =	simm.s32 $0x0;
	[sflag:s8] =	ssyncadd.s32 $0xFFFFFF80  }
0x10: {  	v2 =	vmul.u32 $0xFA, v1;
	v1 =	vld [tilespmem:s13+$0x0];
	_ =	sdelay $0x3  }
0x11: {  	s14 =	simm.s32 $0x40;
	s15 =	smov.u32 s3;
	v2 =	vbroadcast v2, $0x0  }
.LBB2_2:
0x12: {  	s16 =	sshra.s32 s14, $0x2;
	p0 =	sne.s32 s14, $0x1C0;
	s14 =	sadd.s32 $0x40, s14;
	v3 =	vshrl.u32 v1, $0x7  }
.Ltmp0:
0x13: {  	s15 =	sadd.s32 $0x10, s15;
	v1 =	vld [tilespmem:s16+$0x0];
	v2 =	vadd.s32 v3, v2;
	(pc) =	sbr.rel @p0 .LBB2_2-.Ltmp0, $3  }
0x14: {  	v3 =	vmov s15;
	v2 =	vadd.s32 v0, v2  }
0x15: {  	v3 =	vmul.u32 $0xFA, v3;
	[tilespmem:s13+$0x80] =	vst v2;
	s13 =	smov.u32 s16;
	_ =	sdelay $0x1  }
0x16: {  	v2 =	vbroadcast v3, $0x0  }
0x17: {  	v1 =	vshrl.u32 v1, $0x7  }
0x18: {  	v1 =	vadd.s32 v1, v2  }
0x19: {  	v1 =	vadd.s32 v0, v1  }
0x1a: {  	[tilespmem:s13+$0x80] =	vst v1  }
0x1b: {  	[tilespmem:s10], [sflag:$0x1] =	stream.indirect.gather [hbm4b:s4+s9], $0x80, s9, s9, $0xb8;
	[tilespmem:$0x4100] =	vst v63  }
0x1c: {  	s12 =	sadd.s32 $0x1, s12;
	_ =	swait.ge [sflag:s11], $0x4000  }
0x1d: {  	p0 =	sne.s32 s12, s7;
	[sflag:s11] =	ssyncset.done $0x0  }
.Ltmp1:
0x1e: {  	[sflag:s11] =	ssyncadd.s32 $0xFFFFC000;
	(pc) =	sbr.rel @p0 .LBB2_1-.Ltmp1, $4  }
0x1f: {  	[hbm4b:s6+s2] =	stream.linear.scatter [tilespmem:s10], [sflag:$0x2], $0x4000, $0x38;
	[tilespmem:$0x4100] =	vst v63  }
0x20: {  	_ =	swait.ge [sflag:s8], $0x4000  }
0x21: {  	[sflag:s8] =	ssyncset.done $0x0  }
0x22: {  	[sflag:s8] =	ssyncadd.s32 $0xFFFFC000  }
0x23: {  	_ =	sfence.sel $0x180000  }
0x24: {  	[bflag:$0x0] =	sbarrier.arrive $0xFFFF  }
0x25: {  	p0 =	sne.s32 s1, $0x0;
	_ =	strace $0x90000047  }
0x26: {  	s0 =	sadd.s32 @!p0 $0x100000, s0;
	[bflag:$0x2] =	sbarrier.arrive $0xFFFF  }
0x27: {  	[sflag:s0] =	ssyncadd.tile.s32 @!p0 $0x1;
	_ =	shalt  }
.Lfunc_end2:
_tile_overlayer_lowered:
.L_overlay_start_2:
0x28: {  	(tag) =	ssettag $0x2  }
0x29: {  	s0 =	rddreg [dreg:$0x0];
	s2 =	stileid.u32  }
0x2a: {  	s1 =	rddreg [dreg:$0x1];
	p0 =	sne.s32 s2, $0x0  }
0x2b: {  	s3 =	rddreg [dreg:$0x2];
	[bflag:$0x3] =	sbarrier.arrive $0xFFFF;
	s2 =	simm.s32 @!p0 $0x1C02  }
0x2c: {  	[timem:s3], [sflag:s2] =	dma.local @!p0 [hbm:s0], s1  }
0x2d: {  	s0 =	simm.s32 @!p0 $0x2  }
0x2e: {  	_ =	swait.ge @!p0 [sflag:s0], s1  }
0x2f: {  	s1 =	ssub.s32 @!p0 $0x0, s1;
	[sflag:s0] =	ssyncset.done @!p0 $0x0  }
0x30: {  	[sflag:s0] =	ssyncadd.s32 @!p0 s1  }
0x31: {  	[bflag:$0x3] =	sbarrier.arrive $0xFFFF  }
0x32: {  	_ =	shalt  }

</sc_bundles>
